<compile_context>
chip_gen: v7x
topology: tpu7x:2x2x1
jax: 0.10.2.dev20260603
libtpu: 0.0.44.dev20260713+nightly
codegen_flags: <defaults>
</compile_context>

<pallas_src>
import jax
import jax.numpy as jnp
from jax.experimental import pallas as pl
from jax.experimental.pallas import tpu as pltpu

D = 4096
H = 32
HD = 128
KV_LEN = 4095
PAGE = 16
TOPK = 64
NP = 256
TB = 16
TBS = 256
NPB = TBS // PAGE


def _mv(w_ref, x):
    wb = w_ref[...].astype(jnp.bfloat16).astype(jnp.float32)
    xb = x.astype(jnp.bfloat16).astype(jnp.float32)
    return jnp.sum(wb * xb, axis=1, keepdims=True)


def _qkv_body(x_ref, wq_ref, wk_ref, wv_ref, cos_ref, sin_ref,
              q_ref, k_ref, v_ref):
    x = x_ref[...]
    cos = cos_ref[...]
    sin = sin_ref[...]

    def rope(u):
        rot = jnp.concatenate([-u[HD // 2:, :], u[:HD // 2, :]], axis=0)
        return u * cos + rot * sin

    q_ref[...] = rope(_mv(wq_ref, x))
    k_ref[...] = rope(_mv(wk_ref, x))
    v_ref[...] = _mv(wv_ref, x)


def _scan_body(k_ref, knew_ref, q_ref, logit_ref, est_ref):
    tb = pl.program_id(1)
    kb = k_ref[...]
    kn = knew_ref[0]
    q = q_ref[0]
    row = jax.lax.broadcasted_iota(jnp.int32, (TBS, HD), 0)
    tok = tb * TBS + row
    kb = jnp.where(tok == KV_LEN, kn, kb)
    scale = 1.0 / jnp.sqrt(jnp.float32(HD))
    lcol = jnp.sum(kb * q, axis=1, keepdims=True) * scale
    logit_ref[...] = lcol.reshape(1, TBS, 1)
    kp = kb.reshape(NPB, PAGE, HD)
    pmax = kp.max(axis=1)
    pmin = kp.min(axis=1)
    m = jnp.maximum(q * pmax, q * pmin)
    est_ref[...] = jnp.sum(m, axis=1, keepdims=True).reshape(1, NPB, 1)


def _topk_body(est_ref, sel_ref):
    est = est_ref[...]
    lane = jax.lax.broadcasted_iota(jnp.int32, (H, NP), 1)

    def step(_, carry):
        work, mask = carry
        m = jnp.max(work, axis=1, keepdims=True)
        first = jnp.min(jnp.where(work == m, lane, NP), axis=1, keepdims=True)
        hit = lane == first
        return (jnp.where(hit, -jnp.inf, work),
                jnp.maximum(mask, hit.astype(jnp.float32)))

    _, mask = jax.lax.fori_loop(
        0, TOPK, step, (est, jnp.zeros((H, NP), jnp.float32)))
    sel_ref[...] = mask


def _attend_body(logit_ref, sel_ref, v_ref, vnew_ref, out_ref,
                 acc_ref, m_ref, s_ref):
    tb = pl.program_id(1)

    @pl.when(tb == 0)
    def _init():
        m_ref[...] = jnp.full((1, 1), -1e30, jnp.float32)
        s_ref[...] = jnp.zeros((1, 1), jnp.float32)
        acc_ref[...] = jnp.zeros((1, HD), jnp.float32)

    l = logit_ref[0]
    selp = sel_ref[0]
    mask_t = jnp.broadcast_to(
        selp.reshape(NPB, 1, 1), (NPB, PAGE, 1)).reshape(TBS, 1)

    vb = v_ref[...]
    vn = vnew_ref[0]
    row = jax.lax.broadcasted_iota(jnp.int32, (TBS, HD), 0)
    tok = tb * TBS + row
    vb = jnp.where(tok == KV_LEN, vn, vb)

    lm = jnp.where(mask_t > 0.5, l, -1e30)
    local_max = jnp.max(lm, axis=0, keepdims=True)
    prev_m = m_ref[...]
    m_new = jnp.maximum(prev_m, local_max)
    p = jnp.exp(lm - m_new) * mask_t
    corr = jnp.exp(prev_m - m_new)
    s_new = s_ref[...] * corr + jnp.sum(p, axis=0, keepdims=True)
    pv = jnp.sum(p * vb, axis=0, keepdims=True)
    acc_new = acc_ref[...] * corr + pv
    acc_ref[...] = acc_new
    m_ref[...] = m_new
    s_ref[...] = s_new

    @pl.when(tb == TB - 1)
    def _fin():
        out_ref[0] = acc_new / s_new


def _oproj_body(ctx_ref, wo_ref, out_ref):
    out_ref[...] = _mv(wo_ref, ctx_ref[...])


def kernel(hidden_states, position_ids, k_cache, v_cache, Wq, Wk, Wv, Wo):
    f32 = jnp.float32
    x = hidden_states.reshape(1, D).astype(f32)
    pos = position_ids[0, 0].astype(f32)
    half = HD // 2
    inv_freq = 1.0 / (10000.0 ** (jnp.arange(0, half, dtype=f32) / half))
    ang = pos * inv_freq
    cos = jnp.concatenate([jnp.cos(ang), jnp.cos(ang)])
    sin = jnp.concatenate([jnp.sin(ang), jnp.sin(ang)])
    cos_col = jnp.tile(cos, H).reshape(D, 1)
    sin_col = jnp.tile(sin, H).reshape(D, 1)

    q_col, knew_col, vnew_col = pl.pallas_call(
        _qkv_body,
        grid=(H,),
        in_specs=[
            pl.BlockSpec((1, D), lambda h: (0, 0)),
            pl.BlockSpec((HD, D), lambda h: (h, 0)),
            pl.BlockSpec((HD, D), lambda h: (h, 0)),
            pl.BlockSpec((HD, D), lambda h: (h, 0)),
            pl.BlockSpec((HD, 1), lambda h: (h, 0)),
            pl.BlockSpec((HD, 1), lambda h: (h, 0)),
        ],
        out_specs=[
            pl.BlockSpec((HD, 1), lambda h: (h, 0)),
            pl.BlockSpec((HD, 1), lambda h: (h, 0)),
            pl.BlockSpec((HD, 1), lambda h: (h, 0)),
        ],
        out_shape=[jax.ShapeDtypeStruct((D, 1), f32)] * 3,
    )(x, Wq, Wk, Wv, cos_col, sin_col)
    q3 = q_col.reshape(H, 1, HD)
    knew3 = knew_col.reshape(H, 1, HD)
    vnew3 = vnew_col.reshape(H, 1, HD)

    logits, est = pl.pallas_call(
        _scan_body,
        grid=(H, TB),
        in_specs=[
            pl.BlockSpec((TBS, HD), lambda h, tb: (tb, h)),
            pl.BlockSpec((1, 1, HD), lambda h, tb: (h, 0, 0)),
            pl.BlockSpec((1, 1, HD), lambda h, tb: (h, 0, 0)),
        ],
        out_specs=[
            pl.BlockSpec((1, TBS, 1), lambda h, tb: (h, tb, 0)),
            pl.BlockSpec((1, NPB, 1), lambda h, tb: (h, tb, 0)),
        ],
        out_shape=[
            jax.ShapeDtypeStruct((H, TB * TBS, 1), f32),
            jax.ShapeDtypeStruct((H, NP, 1), f32),
        ],
    )(k_cache.reshape(KV_LEN, D), knew3, q3)

    sel = pl.pallas_call(
        _topk_body,
        out_shape=jax.ShapeDtypeStruct((H, NP), f32),
    )(est.reshape(H, NP))

    ctx = pl.pallas_call(
        _attend_body,
        grid=(H, TB),
        in_specs=[
            pl.BlockSpec((1, TBS, 1), lambda h, tb: (h, tb, 0)),
            pl.BlockSpec((1, NPB, 1), lambda h, tb: (h, tb, 0)),
            pl.BlockSpec((TBS, HD), lambda h, tb: (tb, h)),
            pl.BlockSpec((1, 1, HD), lambda h, tb: (h, 0, 0)),
        ],
        out_specs=pl.BlockSpec((1, 1, HD), lambda h, tb: (h, 0, 0)),
        out_shape=jax.ShapeDtypeStruct((H, 1, HD), f32),
        scratch_shapes=[
            pltpu.VMEM((1, HD), f32),
            pltpu.VMEM((1, 1), f32),
            pltpu.VMEM((1, 1), f32),
        ],
    )(logits, sel.reshape(H, NP, 1), v_cache.reshape(KV_LEN, D), vnew3)

    ctx_row = ctx.reshape(1, D)
    out = pl.pallas_call(
        _oproj_body,
        grid=(H,),
        in_specs=[
            pl.BlockSpec((1, D), lambda h: (0, 0)),
            pl.BlockSpec((HD, D), lambda h: (h, 0)),
        ],
        out_specs=pl.BlockSpec((HD, 1), lambda h: (h, 0)),
        out_shape=jax.ShapeDtypeStruct((D, 1), f32),
    )(ctx_row, Wo)
    return out.reshape(1, 1, D)

# --- scband reference (transcript-rebuilt; emitter-appended) ---
"""Pipeline reference for scband-quest-attention-3066606649969 (READ-ONLY COPY).

The authoritative reference and input builder live on the scoring server;
editing this copy changes nothing except your own understanding.
"""

import jax, jax.numpy as jnp
import numpy as np

D = 4096
H = 32
HD = 128
KV_LEN = 4095
PAGE = 16
TOPK_PAGES = 64
NP = (KV_LEN + 1) // PAGE


def _rope_cos_sin(pos):
    half = HD // 2
    inv_freq = 1.0 / (10000.0 ** (jnp.arange(0, half, dtype=jnp.float32) / half))
    ang = pos.astype(jnp.float32) * inv_freq
    cos = jnp.concatenate([jnp.cos(ang), jnp.cos(ang)], axis=-1)
    sin = jnp.concatenate([jnp.sin(ang), jnp.sin(ang)], axis=-1)
    return cos, sin


def _rotate_half(x):
    x1 = x[..., : HD // 2]
    x2 = x[..., HD // 2:]
    return jnp.concatenate([-x2, x1], axis=-1)


def setup_inputs(seed: int = 0):
    key = jax.random.key(seed)
    ks = jax.random.split(key, 8)
    hidden_states = jax.random.normal(ks[0], (1, 1, D), jnp.float32)
    position_ids = jnp.full((1, 1), KV_LEN, dtype=jnp.int32)
    k_cache = jax.random.normal(ks[1], (KV_LEN, H, HD), jnp.float32) * 0.5
    v_cache = jax.random.normal(ks[2], (KV_LEN, H, HD), jnp.float32) * 0.5
    s = 1.0 / np.sqrt(D)
    Wq = jax.random.normal(ks[3], (D, D), jnp.float32) * s
    Wk = jax.random.normal(ks[4], (D, D), jnp.float32) * s
    Wv = jax.random.normal(ks[5], (D, D), jnp.float32) * s
    Wo = jax.random.normal(ks[6], (D, D), jnp.float32) * s
    return {"hidden_states": hidden_states, "position_ids": position_ids,
            "k_cache": k_cache, "v_cache": v_cache,
            "Wq": Wq, "Wk": Wk, "Wv": Wv, "Wo": Wo}


def reference(hidden_states, position_ids, k_cache, v_cache, Wq, Wk, Wv, Wo):
    # qkv projections (decode step, q_len = 1, bsz = 1)
    x = hidden_states[0]  # [1, D]
    q = (x @ Wq.T).reshape(1, H, HD)
    k_new = (x @ Wk.T).reshape(1, H, HD)
    v_new = (x @ Wv.T).reshape(1, H, HD)
    # RoPE at the current position (cache already stores post-RoPE keys)
    pos = position_ids[0, 0]
    cos, sin = _rope_cos_sin(pos)
    q = q * cos + _rotate_half(q) * sin
    k_new = k_new * cos + _rotate_half(k_new) * sin
    # append_kv
    k_all = jnp.concatenate([k_cache, k_new], axis=0)  # [T, H, HD]
    v_all = jnp.concatenate([v_cache, v_new], axis=0)
    # decode_estimate: per-page channelwise min/max key metadata; upper-bound score
    kp = k_all.reshape(NP, PAGE, H, HD)
    pmax = kp.max(axis=1)  # [NP, H, HD]
    pmin = kp.min(axis=1)
    qh = q[0]  # [H, HD]
    est = jnp.maximum(qh[None, :, :] * pmax, qh[None, :, :] * pmin).sum(-1)  # [NP, H]
    scores = est.T  # [H, NP]
    # decode_topk: select top pages per head within token budget
    _, page_idx = jax.lax.top_k(scores, TOPK_PAGES)  # [H, K]
    tok = (page_idx[:, :, None] * PAGE + jnp.arange(PAGE)[None, None, :]).reshape(H, TOPK_PAGES * PAGE)
    # decode_sparse_attn: gather selected pages and attend
    k_heads = jnp.transpose(k_all, (1, 0, 2))  # [H, T, HD]
    v_heads = jnp.transpose(v_all, (1, 0, 2))
    k_sel = jnp.take_along_axis(k_heads, tok[:, :, None], axis=1)  # [H, S, HD]
    v_sel = jnp.take_along_axis(v_heads, tok[:, :, None], axis=1)
    logits = (qh[:, None, :] * k_sel).sum(-1) / jnp.sqrt(jnp.float32(HD))  # [H, S]
    w = jax.nn.softmax(logits, axis=-1)
    ctx = (w[:, :, None] * v_sel).sum(1)  # [H, HD]
    # o_proj
    attn_output = ctx.reshape(1, 1, D) @ Wo.T
    return attn_output

if __name__ == "__main__":
    import jax
    _d = setup_inputs()
    print(jax.jit(kernel)(*tuple(_d.values())))

</pallas_src>

<mosaic_0001>
module attributes {stable_mosaic.version = 14 : i64} {
  func.func @_qkv_body(%arg0: i32, %arg1: memref<1x4096xf32, #tpu.memory_space<vmem>>, %arg2: memref<128x4096xf32, #tpu.memory_space<vmem>>, %arg3: memref<128x4096xf32, #tpu.memory_space<vmem>>, %arg4: memref<128x4096xf32, #tpu.memory_space<vmem>>, %arg5: memref<128x1xf32, #tpu.memory_space<vmem>>, %arg6: memref<128x1xf32, #tpu.memory_space<vmem>>, %arg7: memref<128x1xf32, #tpu.memory_space<vmem>>, %arg8: memref<128x1xf32, #tpu.memory_space<vmem>>, %arg9: memref<128x1xf32, #tpu.memory_space<vmem>>) attributes {dimension_semantics = [#tpu.dimension_semantics<arbitrary>], iteration_bounds = array<i64: 32>, scalar_prefetch = 0 : i64, scratch_operands = 0 : i64, tpu.core_type = #tpu.core_type<tc>, window_params = [{pipeline_mode = #tpu.pipeline_mode<synchronous>, transform_indices = @transform_0, window_bounds = array<i64: 1, 4096>}, {transform_indices = @transform_1, window_bounds = array<i64: 128, 4096>}, {transform_indices = @transform_2, window_bounds = array<i64: 128, 4096>}, {transform_indices = @transform_3, window_bounds = array<i64: 128, 4096>}, {transform_indices = @transform_4, window_bounds = array<i64: 128, 1>}, {transform_indices = @transform_5, window_bounds = array<i64: 128, 1>}, {transform_indices = @transform_6, window_bounds = array<i64: 128, 1>}, {transform_indices = @transform_7, window_bounds = array<i64: 128, 1>}, {transform_indices = @transform_8, window_bounds = array<i64: 128, 1>}]} {
    %get3A = arith.constant 0 : index
    %get3A_0 = arith.constant 0 : index
    %get3A_1 = vector.load %arg1[%get3A, %get3A_0] : memref<1x4096xf32, #tpu.memory_space<vmem>>, vector<1x4096xf32>
    %get3A_2 = arith.constant 0 : index
    %get3A_3 = arith.constant 0 : index
    %get3A_4 = vector.load %arg5[%get3A_2, %get3A_3] : memref<128x1xf32, #tpu.memory_space<vmem>>, vector<128x1xf32>
    %get3A_5 = arith.constant 0 : index
    %get3A_6 = arith.constant 0 : index
    %get3A_7 = vector.load %arg6[%get3A_5, %get3A_6] : memref<128x1xf32, #tpu.memory_space<vmem>>, vector<128x1xf32>
    %get3A_8 = arith.constant 0 : index
    %get3A_9 = arith.constant 0 : index
    %get3A_10 = vector.load %arg2[%get3A_8, %get3A_9] : memref<128x4096xf32, #tpu.memory_space<vmem>>, vector<128x4096xf32>
    %convert_element_type3A = arith.truncf %get3A_10 : vector<128x4096xf32> to vector<128x4096xbf16>
    %convert_element_type3A_11 = arith.extf %convert_element_type3A : vector<128x4096xbf16> to vector<128x4096xf32>
    %convert_element_type3A_12 = arith.truncf %get3A_1 : vector<1x4096xf32> to vector<1x4096xbf16>
    %convert_element_type3A_13 = arith.extf %convert_element_type3A_12 : vector<1x4096xbf16> to vector<1x4096xf32>
    %mul3A = vector.broadcast %convert_element_type3A_13 : vector<1x4096xf32> to vector<128x4096xf32>
    %mul3A_14 = arith.mulf %convert_element_type3A_11, %mul3A : vector<128x4096xf32>
    %reduce_sum3A = arith.constant dense<0.000000e+00> : vector<128xf32>
    %reduce_sum3A_15 = vector.multi_reduction <add>, %mul3A_14, %reduce_sum3A [1] : vector<128x4096xf32> to vector<128xf32>
    %broadcast_in_dim3A = vector.shape_cast %reduce_sum3A_15 : vector<128xf32> to vector<128x1xf32>
    %slice3A = vector.extract_strided_slice %broadcast_in_dim3A {offsets = [64, 0], sizes = [64, 1], strides = [1, 1]} : vector<128x1xf32> to vector<64x1xf32>
    %neg3A = arith.constant 0.000000e+00 : f32
    %neg3A_16 = vector.broadcast %neg3A : f32 to vector<64x1xf32>
    %neg3A_17 = arith.subf %neg3A_16, %slice3A : vector<64x1xf32>
    %slice3A_18 = vector.extract_strided_slice %broadcast_in_dim3A {offsets = [0, 0], sizes = [64, 1], strides = [1, 1]} : vector<128x1xf32> to vector<64x1xf32>
    %concatenate3A = tpu.concatenate %neg3A_17, %slice3A_18 in 0 : vector<64x1xf32>, vector<64x1xf32> -> vector<128x1xf32>
    %mul3A_19 = arith.mulf %broadcast_in_dim3A, %get3A_4 : vector<128x1xf32>
    %mul3A_20 = arith.mulf %concatenate3A, %get3A_7 : vector<128x1xf32>
    %add3A = arith.addf %mul3A_19, %mul3A_20 : vector<128x1xf32>
    %swap3A = arith.constant 0 : index
    %swap3A_21 = arith.constant 0 : index
    %swap3A_22 = vector.load %arg7[%swap3A, %swap3A_21] : memref<128x1xf32, #tpu.memory_space<vmem>>, vector<128x1xf32>
    tpu.vector_store %arg7[%swap3A, %swap3A_21], %add3A {strides = array<i32>} : memref<128x1xf32, #tpu.memory_space<vmem>>, vector<128x1xf32>,
    %get3A_23 = arith.constant 0 : index
    %get3A_24 = arith.constant 0 : index
    %get3A_25 = vector.load %arg3[%get3A_23, %get3A_24] : memref<128x4096xf32, #tpu.memory_space<vmem>>, vector<128x4096xf32>
    %convert_element_type3A_26 = arith.truncf %get3A_25 : vector<128x4096xf32> to vector<128x4096xbf16>
    %convert_element_type3A_27 = arith.extf %convert_element_type3A_26 : vector<128x4096xbf16> to vector<128x4096xf32>
    %convert_element_type3A_28 = arith.truncf %get3A_1 : vector<1x4096xf32> to vector<1x4096xbf16>
    %convert_element_type3A_29 = arith.extf %convert_element_type3A_28 : vector<1x4096xbf16> to vector<1x4096xf32>
    %mul3A_30 = vector.broadcast %convert_element_type3A_29 : vector<1x4096xf32> to vector<128x4096xf32>
    %mul3A_31 = arith.mulf %convert_element_type3A_27, %mul3A_30 : vector<128x4096xf32>
    %reduce_sum3A_32 = arith.constant dense<0.000000e+00> : vector<128xf32>
    %reduce_sum3A_33 = vector.multi_reduction <add>, %mul3A_31, %reduce_sum3A_32 [1] : vector<128x4096xf32> to vector<128xf32>
    %broadcast_in_dim3A_34 = vector.shape_cast %reduce_sum3A_33 : vector<128xf32> to vector<128x1xf32>
    %slice3A_35 = vector.extract_strided_slice %broadcast_in_dim3A_34 {offsets = [64, 0], sizes = [64, 1], strides = [1, 1]} : vector<128x1xf32> to vector<64x1xf32>
    %neg3A_36 = arith.constant 0.000000e+00 : f32
    %neg3A_37 = vector.broadcast %neg3A_36 : f32 to vector<64x1xf32>
    %neg3A_38 = arith.subf %neg3A_37, %slice3A_35 : vector<64x1xf32>
    %slice3A_39 = vector.extract_strided_slice %broadcast_in_dim3A_34 {offsets = [0, 0], sizes = [64, 1], strides = [1, 1]} : vector<128x1xf32> to vector<64x1xf32>
    %concatenate3A_40 = tpu.concatenate %neg3A_38, %slice3A_39 in 0 : vector<64x1xf32>, vector<64x1xf32> -> vector<128x1xf32>
    %mul3A_41 = arith.mulf %broadcast_in_dim3A_34, %get3A_4 : vector<128x1xf32>
    %mul3A_42 = arith.mulf %concatenate3A_40, %get3A_7 : vector<128x1xf32>
    %add3A_43 = arith.addf %mul3A_41, %mul3A_42 : vector<128x1xf32>
    %swap3A_44 = arith.constant 0 : index
    %swap3A_45 = arith.constant 0 : index
    %swap3A_46 = vector.load %arg8[%swap3A_44, %swap3A_45] : memref<128x1xf32, #tpu.memory_space<vmem>>, vector<128x1xf32>
    tpu.vector_store %arg8[%swap3A_44, %swap3A_45], %add3A_43 {strides = array<i32>} : memref<128x1xf32, #tpu.memory_space<vmem>>, vector<128x1xf32>,
    %get3A_47 = arith.constant 0 : index
    %get3A_48 = arith.constant 0 : index
    %get3A_49 = vector.load %arg4[%get3A_47, %get3A_48] : memref<128x4096xf32, #tpu.memory_space<vmem>>, vector<128x4096xf32>
    %convert_element_type3A_50 = arith.truncf %get3A_49 : vector<128x4096xf32> to vector<128x4096xbf16>
    %convert_element_type3A_51 = arith.extf %convert_element_type3A_50 : vector<128x4096xbf16> to vector<128x4096xf32>
    %convert_element_type3A_52 = arith.truncf %get3A_1 : vector<1x4096xf32> to vector<1x4096xbf16>
    %convert_element_type3A_53 = arith.extf %convert_element_type3A_52 : vector<1x4096xbf16> to vector<1x4096xf32>
    %mul3A_54 = vector.broadcast %convert_element_type3A_53 : vector<1x4096xf32> to vector<128x4096xf32>
    %mul3A_55 = arith.mulf %convert_element_type3A_51, %mul3A_54 : vector<128x4096xf32>
    %reduce_sum3A_56 = arith.constant dense<0.000000e+00> : vector<128xf32>
    %reduce_sum3A_57 = vector.multi_reduction <add>, %mul3A_55, %reduce_sum3A_56 [1] : vector<128x4096xf32> to vector<128xf32>
    %broadcast_in_dim3A_58 = vector.shape_cast %reduce_sum3A_57 : vector<128xf32> to vector<128x1xf32>
    %swap3A_59 = arith.constant 0 : index
    %swap3A_60 = arith.constant 0 : index
    %swap3A_61 = vector.load %arg9[%swap3A_59, %swap3A_60] : memref<128x1xf32, #tpu.memory_space<vmem>>, vector<128x1xf32>
    tpu.vector_store %arg9[%swap3A_59, %swap3A_60], %broadcast_in_dim3A_58 {strides = array<i32>} : memref<128x1xf32, #tpu.memory_space<vmem>>, vector<128x1xf32>,
    return
  }
  func.func @transform_0(%arg0: i32) -> (i32, i32) {
    %c0_i32 = arith.constant 0 : i32
    %c0_i32_0 = arith.constant 0 : i32
    %c0_i32_1 = arith.constant 0 : i32
    return %c0_i32, %c0_i32_0 : i32, i32
  }
  func.func @transform_1(%arg0: i32) -> (i32, i32) {
    %c0_i32 = arith.constant 0 : i32
    %c0_i32_0 = arith.constant 0 : i32
    return %arg0, %c0_i32 : i32, i32
  }
  func.func @transform_2(%arg0: i32) -> (i32, i32) {
    %c0_i32 = arith.constant 0 : i32
    %c0_i32_0 = arith.constant 0 : i32
    return %arg0, %c0_i32 : i32, i32
  }
  func.func @transform_3(%arg0: i32) -> (i32, i32) {
    %c0_i32 = arith.constant 0 : i32
    %c0_i32_0 = arith.constant 0 : i32
    return %arg0, %c0_i32 : i32, i32
  }
  func.func @transform_4(%arg0: i32) -> (i32, i32) {
    %c0_i32 = arith.constant 0 : i32
    %c0_i32_0 = arith.constant 0 : i32
    return %arg0, %c0_i32 : i32, i32
  }
  func.func @transform_5(%arg0: i32) -> (i32, i32) {
    %c0_i32 = arith.constant 0 : i32
    %c0_i32_0 = arith.constant 0 : i32
    return %arg0, %c0_i32 : i32, i32
  }
  func.func @transform_6(%arg0: i32) -> (i32, i32) {
    %c0_i32 = arith.constant 0 : i32
    %c0_i32_0 = arith.constant 0 : i32
    return %arg0, %c0_i32 : i32, i32
  }
  func.func @transform_7(%arg0: i32) -> (i32, i32) {
    %c0_i32 = arith.constant 0 : i32
    %c0_i32_0 = arith.constant 0 : i32
    return %arg0, %c0_i32 : i32, i32
  }
  func.func @transform_8(%arg0: i32) -> (i32, i32) {
    %c0_i32 = arith.constant 0 : i32
    %c0_i32_0 = arith.constant 0 : i32
    return %arg0, %c0_i32 : i32, i32
  }
}

module attributes {stable_mosaic.version = 14 : i64} {
  func.func @_scan_body(%arg0: i32, %arg1: i32, %arg2: memref<256x128xf32, #tpu.memory_space<vmem>>, %arg3: memref<1x1x128xf32, #tpu.memory_space<vmem>>, %arg4: memref<1x1x128xf32, #tpu.memory_space<vmem>>, %arg5: memref<1x256x1xf32, #tpu.memory_space<vmem>>, %arg6: memref<1x16x1xf32, #tpu.memory_space<vmem>>) attributes {dimension_semantics = [#tpu.dimension_semantics<arbitrary>, #tpu.dimension_semantics<arbitrary>], iteration_bounds = array<i64: 32, 16>, scalar_prefetch = 0 : i64, scratch_operands = 0 : i64, tpu.core_type = #tpu.core_type<tc>, window_params = [{transform_indices = @transform_0, window_bounds = array<i64: 256, 128>}, {transform_indices = @transform_1, window_bounds = array<i64: 1, 1, 128>}, {transform_indices = @transform_2, window_bounds = array<i64: 1, 1, 128>}, {transform_indices = @transform_3, window_bounds = array<i64: 1, 256, 1>}, {transform_indices = @transform_4, window_bounds = array<i64: 1, 16, 1>}]} {
    %get3A = arith.constant 0 : index
    %get3A_0 = arith.constant 0 : index
    %get3A_1 = vector.load %arg2[%get3A, %get3A_0] : memref<256x128xf32, #tpu.memory_space<vmem>>, vector<256x128xf32>
    %get3A_2 = arith.constant 0 : index
    %get3A_3 = arith.constant 0 : index
    %get3A_4 = arith.constant 0 : index
    %get3A_5 = vector.load %arg3[%get3A_2, %get3A_3, %get3A_4] : memref<1x1x128xf32, #tpu.memory_space<vmem>>, vector<1x1x128xf32>
    %get3A_6 = vector.shape_cast %get3A_5 : vector<1x1x128xf32> to vector<1x128xf32>
    %get3A_7 = arith.constant 0 : index
    %get3A_8 = arith.constant 0 : index
    %get3A_9 = arith.constant 0 : index
    %get3A_10 = vector.load %arg4[%get3A_7, %get3A_8, %get3A_9] : memref<1x1x128xf32, #tpu.memory_space<vmem>>, vector<1x1x128xf32>
    %get3A_11 = vector.shape_cast %get3A_10 : vector<1x1x128xf32> to vector<1x128xf32>
    %iota3A = tpu.iota {dimensions = array<i32: 0>} : vector<256x128xi32>
    %mul3A = arith.constant 256 : i32
    %mul3A_12 = arith.muli %arg1, %mul3A : i32
    %add3A = vector.broadcast %mul3A_12 : i32 to vector<256x128xi32>
    %add3A_13 = arith.addi %add3A, %iota3A : vector<256x128xi32>
    %eq3A = arith.constant 4095 : i32
    %eq3A_14 = vector.broadcast %eq3A : i32 to vector<256x128xi32>
    %eq3A_15 = arith.cmpi eq, %add3A_13, %eq3A_14 : vector<256x128xi32>
    %broadcast_in_dim3A = vector.shape_cast %get3A_6 : vector<1x128xf32> to vector<1x128xf32>
    %broadcast_in_dim3A_16 = vector.broadcast %broadcast_in_dim3A : vector<1x128xf32> to vector<256x128xf32>
    %select_n3A = arith.select %eq3A_15, %broadcast_in_dim3A_16, %get3A_1 : vector<256x128xi1>, vector<256x128xf32>
    %sqrt3A = arith.constant 1.280000e+02 : f32
    %sqrt3A_17 = math.sqrt %sqrt3A : f32
    %div3A = arith.constant 1.000000e+00 : f32
    %div3A_18 = arith.divf %div3A, %sqrt3A_17 : f32
    %mul3A_19 = vector.broadcast %get3A_11 : vector<1x128xf32> to vector<256x128xf32>
    %mul3A_20 = arith.mulf %select_n3A, %mul3A_19 : vector<256x128xf32>
    %reduce_sum3A = arith.constant dense<0.000000e+00> : vector<256xf32>
    %reduce_sum3A_21 = vector.multi_reduction <add>, %mul3A_20, %reduce_sum3A [1] : vector<256x128xf32> to vector<256xf32>
    %broadcast_in_dim3A_22 = vector.shape_cast %reduce_sum3A_21 : vector<256xf32> to vector<256x1xf32>
    %mul3A_23 = vector.broadcast %div3A_18 : f32 to vector<256x1xf32>
    %mul3A_24 = arith.mulf %broadcast_in_dim3A_22, %mul3A_23 : vector<256x1xf32>
    %reshape3A = vector.shape_cast %mul3A_24 : vector<256x1xf32> to vector<1x256x1xf32>
    %swap3A = arith.constant 0 : index
    %swap3A_25 = arith.constant 0 : index
    %swap3A_26 = arith.constant 0 : index
    %swap3A_27 = vector.load %arg5[%swap3A, %swap3A_25, %swap3A_26] : memref<1x256x1xf32, #tpu.memory_space<vmem>>, vector<1x256x1xf32>
    tpu.vector_store %arg5[%swap3A, %swap3A_25, %swap3A_26], %reshape3A {strides = array<i32>} : memref<1x256x1xf32, #tpu.memory_space<vmem>>, vector<1x256x1xf32>,
    %reshape3A_28 = vector.shape_cast %select_n3A : vector<256x128xf32> to vector<16x16x128xf32>
    %reduce_max3A = arith.constant dense<0xFF800000> : vector<16x128xf32>
    %reduce_max3A_29 = vector.multi_reduction <maximumf>, %reshape3A_28, %reduce_max3A [1] : vector<16x16x128xf32> to vector<16x128xf32>
    %reduce_min3A = arith.constant dense<0x7F800000> : vector<16x128xf32>
    %reduce_min3A_30 = vector.multi_reduction <minimumf>, %reshape3A_28, %reduce_min3A [1] : vector<16x16x128xf32> to vector<16x128xf32>
    %mul3A_31 = vector.broadcast %get3A_11 : vector<1x128xf32> to vector<16x128xf32>
    %mul3A_32 = arith.mulf %mul3A_31, %reduce_max3A_29 : vector<16x128xf32>
    %mul3A_33 = vector.broadcast %get3A_11 : vector<1x128xf32> to vector<16x128xf32>
    %mul3A_34 = arith.mulf %mul3A_33, %reduce_min3A_30 : vector<16x128xf32>
    %max3A = arith.maximumf %mul3A_32, %mul3A_34 : vector<16x128xf32>
    %reduce_sum3A_35 = arith.constant dense<0.000000e+00> : vector<16xf32>
    %reduce_sum3A_36 = vector.multi_reduction <add>, %max3A, %reduce_sum3A_35 [1] : vector<16x128xf32> to vector<16xf32>
    %broadcast_in_dim3A_37 = vector.shape_cast %reduce_sum3A_36 : vector<16xf32> to vector<16x1xf32>
    %reshape3A_38 = vector.shape_cast %broadcast_in_dim3A_37 : vector<16x1xf32> to vector<1x16x1xf32>
    %swap3A_39 = arith.constant 0 : index
    %swap3A_40 = arith.constant 0 : index
    %swap3A_41 = arith.constant 0 : index
    %swap3A_42 = vector.load %arg6[%swap3A_39, %swap3A_40, %swap3A_41] : memref<1x16x1xf32, #tpu.memory_space<vmem>>, vector<1x16x1xf32>
    tpu.vector_store %arg6[%swap3A_39, %swap3A_40, %swap3A_41], %reshape3A_38 {strides = array<i32>} : memref<1x16x1xf32, #tpu.memory_space<vmem>>, vector<1x16x1xf32>,
    return
  }
  func.func @transform_0(%arg0: i32, %arg1: i32) -> (i32, i32) {
    %c0_i32 = arith.constant 0 : i32
    return %arg1, %arg0 : i32, i32
  }
  func.func @transform_1(%arg0: i32, %arg1: i32) -> (i32, i32, i32) {
    %c0_i32 = arith.constant 0 : i32
    %c0_i32_0 = arith.constant 0 : i32
    %c0_i32_1 = arith.constant 0 : i32
    return %arg0, %c0_i32, %c0_i32_0 : i32, i32, i32
  }
  func.func @transform_2(%arg0: i32, %arg1: i32) -> (i32, i32, i32) {
    %c0_i32 = arith.constant 0 : i32
    %c0_i32_0 = arith.constant 0 : i32
    %c0_i32_1 = arith.constant 0 : i32
    return %arg0, %c0_i32, %c0_i32_0 : i32, i32, i32
  }
  func.func @transform_3(%arg0: i32, %arg1: i32) -> (i32, i32, i32) {
    %c0_i32 = arith.constant 0 : i32
    %c0_i32_0 = arith.constant 0 : i32
    return %arg0, %arg1, %c0_i32 : i32, i32, i32
  }
  func.func @transform_4(%arg0: i32, %arg1: i32) -> (i32, i32, i32) {
    %c0_i32 = arith.constant 0 : i32
    %c0_i32_0 = arith.constant 0 : i32
    return %arg0, %arg1, %c0_i32 : i32, i32, i32
  }
}

module attributes {stable_mosaic.version = 14 : i64} {
  func.func @_topk_body(%arg0: memref<32x256xf32, #tpu.memory_space<vmem>>, %arg1: memref<32x256xf32, #tpu.memory_space<vmem>>) attributes {dimension_semantics = [], scalar_prefetch = 0 : i64, scratch_operands = 0 : i64, tpu.core_type = #tpu.core_type<tc>} {
    %get3A = arith.constant 0 : index
    %get3A_0 = arith.constant 0 : index
    %get3A_1 = vector.load %arg0[%get3A, %get3A_0] : memref<32x256xf32, #tpu.memory_space<vmem>>, vector<32x256xf32>
    %iota3A = tpu.iota {dimensions = array<i32: 1>} : vector<32x256xi32>
    %broadcast_in_dim3A = arith.constant 0.000000e+00 : f32
    %broadcast_in_dim3A_2 = vector.broadcast %broadcast_in_dim3A : f32 to vector<32x256xf32>
    %scan3A = arith.constant 0 : i32
    %scan3A_3 = arith.constant 64 : i32
    %scan3A_4 = arith.addi %scan3A, %scan3A_3 : i32
    %scan3A_5 = arith.constant 1 : i32
    %scan3A_6:2 = scf.for %scan3A_9 = %scan3A to %scan3A_4 step %scan3A_5 iter_args(%scan3A_10 = %get3A_1, %scan3A_11 = %broadcast_in_dim3A_2) -> (vector<32x256xf32>, vector<32x256xf32>)  : i32 {
      %reduce_max3A = arith.constant dense<0xFF800000> : vector<32xf32>
      %reduce_max3A_12 = vector.multi_reduction <maximumf>, %scan3A_10, %reduce_max3A [1] : vector<32x256xf32> to vector<32xf32>
      %broadcast_in_dim3A_13 = vector.shape_cast %reduce_max3A_12 : vector<32xf32> to vector<32x1xf32>
      %eq3A = vector.broadcast %broadcast_in_dim3A_13 : vector<32x1xf32> to vector<32x256xf32>
      %eq3A_14 = arith.cmpf oeq, %scan3A_10, %eq3A : vector<32x256xf32>
      %jit3A = arith.constant 256 : i32
      %broadcast_in_dim3A_15 = vector.broadcast %jit3A : i32 to vector<32x256xi32>
      %select_n3A = arith.select %eq3A_14, %iota3A, %broadcast_in_dim3A_15 : vector<32x256xi1>, vector<32x256xi32>
      %reduce_min3A = arith.constant dense<2147483647> : vector<32xi32>
      %reduce_min3A_16 = vector.multi_reduction <minsi>, %select_n3A, %reduce_min3A [1] : vector<32x256xi32> to vector<32xi32>
      %broadcast_in_dim3A_17 = vector.shape_cast %reduce_min3A_16 : vector<32xi32> to vector<32x1xi32>
      %eq3A_18 = vector.broadcast %broadcast_in_dim3A_17 : vector<32x1xi32> to vector<32x256xi32>
      %eq3A_19 = arith.cmpi eq, %iota3A, %eq3A_18 : vector<32x256xi32>
      %jit3A_20 = arith.constant 0xFF800000 : f32
      %broadcast_in_dim3A_21 = vector.broadcast %jit3A_20 : f32 to vector<32x256xf32>
      %select_n3A_22 = arith.select %eq3A_19, %broadcast_in_dim3A_21, %scan3A_10 : vector<32x256xi1>, vector<32x256xf32>
      %convert_element_type3A = arith.extui %eq3A_19 : vector<32x256xi1> to vector<32x256xi32>
      %convert_element_type3A_23 = arith.sitofp %convert_element_type3A : vector<32x256xi32> to vector<32x256xf32>
      %max3A = arith.maximumf %scan3A_11, %convert_element_type3A_23 : vector<32x256xf32>
      scf.yield %select_n3A_22, %max3A : vector<32x256xf32>, vector<32x256xf32>
    }
    %swap3A = arith.constant 0 : index
    %swap3A_7 = arith.constant 0 : index
    %swap3A_8 = vector.load %arg1[%swap3A, %swap3A_7] : memref<32x256xf32, #tpu.memory_space<vmem>>, vector<32x256xf32>
    tpu.vector_store %arg1[%swap3A, %swap3A_7], %scan3A_6#1 {strides = array<i32>} : memref<32x256xf32, #tpu.memory_space<vmem>>, vector<32x256xf32>,
    return
  }
}

module attributes {stable_mosaic.version = 14 : i64} {
  func.func @_attend_body(%arg0: i32, %arg1: i32, %arg2: memref<1x256x1xf32, #tpu.memory_space<vmem>>, %arg3: memref<1x16x1xf32, #tpu.memory_space<vmem>>, %arg4: memref<256x128xf32, #tpu.memory_space<vmem>>, %arg5: memref<1x1x128xf32, #tpu.memory_space<vmem>>, %arg6: memref<1x1x128xf32, #tpu.memory_space<vmem>>, %arg7: memref<1x128xf32, #tpu.memory_space<vmem>>, %arg8: memref<1x1xf32, #tpu.memory_space<vmem>>, %arg9: memref<1x1xf32, #tpu.memory_space<vmem>>) attributes {dimension_semantics = [#tpu.dimension_semantics<arbitrary>, #tpu.dimension_semantics<arbitrary>], iteration_bounds = array<i64: 32, 16>, scalar_prefetch = 0 : i64, scratch_operands = 3 : i64, tpu.core_type = #tpu.core_type<tc>, window_params = [{transform_indices = @transform_0, window_bounds = array<i64: 1, 256, 1>}, {transform_indices = @transform_1, window_bounds = array<i64: 1, 16, 1>}, {transform_indices = @transform_2, window_bounds = array<i64: 256, 128>}, {transform_indices = @transform_3, window_bounds = array<i64: 1, 1, 128>}, {transform_indices = @transform_4, window_bounds = array<i64: 1, 1, 128>}]} {
    %eq3A = arith.constant 0 : i32
    %eq3A_0 = arith.cmpi eq, %arg1, %eq3A : i32
    %convert_element_type3A = arith.extui %eq3A_0 : i1 to i32
    %cond3A = arith.constant 0 : i32
    %cond3A_1 = arith.cmpi ne, %convert_element_type3A, %cond3A : i32
    scf.if %cond3A_1 {
      %broadcast_in_dim3A_72 = arith.constant -1.000000e+30 : f32
      %broadcast_in_dim3A_73 = vector.broadcast %broadcast_in_dim3A_72 : f32 to vector<1x1xf32>
      %swap3A_74 = arith.constant 0 : index
      %swap3A_75 = arith.constant 0 : index
      %swap3A_76 = vector.load %arg8[%swap3A_74, %swap3A_75] : memref<1x1xf32, #tpu.memory_space<vmem>>, vector<1x1xf32>
      tpu.vector_store %arg8[%swap3A_74, %swap3A_75], %broadcast_in_dim3A_73 {strides = array<i32>} : memref<1x1xf32, #tpu.memory_space<vmem>>, vector<1x1xf32>,
      %broadcast_in_dim3A_77 = arith.constant 0.000000e+00 : f32
      %broadcast_in_dim3A_78 = vector.broadcast %broadcast_in_dim3A_77 : f32 to vector<1x1xf32>
      %swap3A_79 = arith.constant 0 : index
      %swap3A_80 = arith.constant 0 : index
      %swap3A_81 = vector.load %arg9[%swap3A_79, %swap3A_80] : memref<1x1xf32, #tpu.memory_space<vmem>>, vector<1x1xf32>
      tpu.vector_store %arg9[%swap3A_79, %swap3A_80], %broadcast_in_dim3A_78 {strides = array<i32>} : memref<1x1xf32, #tpu.memory_space<vmem>>, vector<1x1xf32>,
      %broadcast_in_dim3A_82 = arith.constant 0.000000e+00 : f32
      %broadcast_in_dim3A_83 = vector.broadcast %broadcast_in_dim3A_82 : f32 to vector<1x128xf32>
      %swap3A_84 = arith.constant 0 : index
      %swap3A_85 = arith.constant 0 : index
      %swap3A_86 = vector.load %arg7[%swap3A_84, %swap3A_85] : memref<1x128xf32, #tpu.memory_space<vmem>>, vector<1x128xf32>
      tpu.vector_store %arg7[%swap3A_84, %swap3A_85], %broadcast_in_dim3A_83 {strides = array<i32>} : memref<1x128xf32, #tpu.memory_space<vmem>>, vector<1x128xf32>,
    } else {
    }
    %get3A = arith.constant 0 : index
    %get3A_2 = arith.constant 0 : index
    %get3A_3 = arith.constant 0 : index
    %get3A_4 = vector.load %arg2[%get3A, %get3A_2, %get3A_3] : memref<1x256x1xf32, #tpu.memory_space<vmem>>, vector<1x256x1xf32>
    %get3A_5 = vector.shape_cast %get3A_4 : vector<1x256x1xf32> to vector<256x1xf32>
    %get3A_6 = arith.constant 0 : index
    %get3A_7 = arith.constant 0 : index
    %get3A_8 = arith.constant 0 : index
    %get3A_9 = vector.load %arg3[%get3A_6, %get3A_7, %get3A_8] : memref<1x16x1xf32, #tpu.memory_space<vmem>>, vector<1x16x1xf32>
    %get3A_10 = vector.shape_cast %get3A_9 : vector<1x16x1xf32> to vector<16x1xf32>
    %reshape3A = vector.shape_cast %get3A_10 : vector<16x1xf32> to vector<16x1x1xf32>
    %broadcast_in_dim3A = vector.shape_cast %reshape3A : vector<16x1x1xf32> to vector<16x1x1xf32>
    %broadcast_in_dim3A_11 = vector.broadcast %broadcast_in_dim3A : vector<16x1x1xf32> to vector<16x16x1xf32>
    %reshape3A_12 = vector.shape_cast %broadcast_in_dim3A_11 : vector<16x16x1xf32> to vector<256x1xf32>
    %get3A_13 = arith.constant 0 : index
    %get3A_14 = arith.constant 0 : index
    %get3A_15 = vector.load %arg4[%get3A_13, %get3A_14] : memref<256x128xf32, #tpu.memory_space<vmem>>, vector<256x128xf32>
    %get3A_16 = arith.constant 0 : index
    %get3A_17 = arith.constant 0 : index
    %get3A_18 = arith.constant 0 : index
    %get3A_19 = vector.load %arg5[%get3A_16, %get3A_17, %get3A_18] : memref<1x1x128xf32, #tpu.memory_space<vmem>>, vector<1x1x128xf32>
    %get3A_20 = vector.shape_cast %get3A_19 : vector<1x1x128xf32> to vector<1x128xf32>
    %iota3A = tpu.iota {dimensions = array<i32: 0>} : vector<256x128xi32>
    %mul3A = arith.constant 256 : i32
    %mul3A_21 = arith.muli %arg1, %mul3A : i32
    %add3A = vector.broadcast %mul3A_21 : i32 to vector<256x128xi32>
    %add3A_22 = arith.addi %add3A, %iota3A : vector<256x128xi32>
    %eq3A_23 = arith.constant 4095 : i32
    %eq3A_24 = vector.broadcast %eq3A_23 : i32 to vector<256x128xi32>
    %eq3A_25 = arith.cmpi eq, %add3A_22, %eq3A_24 : vector<256x128xi32>
    %broadcast_in_dim3A_26 = vector.shape_cast %get3A_20 : vector<1x128xf32> to vector<1x128xf32>
    %broadcast_in_dim3A_27 = vector.broadcast %broadcast_in_dim3A_26 : vector<1x128xf32> to vector<256x128xf32>
    %select_n3A = arith.select %eq3A_25, %broadcast_in_dim3A_27, %get3A_15 : vector<256x128xi1>, vector<256x128xf32>
    %gt3A = arith.constant 5.000000e-01 : f32
    %gt3A_28 = vector.broadcast %gt3A : f32 to vector<256x1xf32>
    %gt3A_29 = arith.cmpf ogt, %reshape3A_12, %gt3A_28 : vector<256x1xf32>
    %jit3A = arith.constant -1.000000e+30 : f32
    %broadcast_in_dim3A_30 = vector.broadcast %jit3A : f32 to vector<256x1xf32>
    %select_n3A_31 = arith.select %gt3A_29, %get3A_5, %broadcast_in_dim3A_30 : vector<256x1xi1>, vector<256x1xf32>
    %reduce_max3A = arith.constant dense<0xFF800000> : vector<1xf32>
    %reduce_max3A_32 = vector.multi_reduction <maximumf>, %select_n3A_31, %reduce_max3A [0] : vector<256x1xf32> to vector<1xf32>
    %broadcast_in_dim3A_33 = vector.shape_cast %reduce_max3A_32 : vector<1xf32> to vector<1x1xf32>
    %get3A_34 = arith.constant 0 : index
    %get3A_35 = arith.constant 0 : index
    %get3A_36 = vector.load %arg8[%get3A_34, %get3A_35] : memref<1x1xf32, #tpu.memory_space<vmem>>, vector<1x1xf32>
    %max3A = arith.maximumf %get3A_36, %broadcast_in_dim3A_33 : vector<1x1xf32>
    %sub3A = vector.broadcast %max3A : vector<1x1xf32> to vector<256x1xf32>
    %sub3A_37 = arith.subf %select_n3A_31, %sub3A : vector<256x1xf32>
    %exp3A = math.exp %sub3A_37 : vector<256x1xf32>
    %mul3A_38 = arith.mulf %exp3A, %reshape3A_12 : vector<256x1xf32>
    %sub3A_39 = arith.subf %get3A_36, %max3A : vector<1x1xf32>
    %exp3A_40 = math.exp %sub3A_39 : vector<1x1xf32>
    %get3A_41 = arith.constant 0 : index
    %get3A_42 = arith.constant 0 : index
    %get3A_43 = vector.load %arg9[%get3A_41, %get3A_42] : memref<1x1xf32, #tpu.memory_space<vmem>>, vector<1x1xf32>
    %mul3A_44 = arith.mulf %get3A_43, %exp3A_40 : vector<1x1xf32>
    %reduce_sum3A = arith.constant dense<0.000000e+00> : vector<1xf32>
    %reduce_sum3A_45 = vector.multi_reduction <add>, %mul3A_38, %reduce_sum3A [0] : vector<256x1xf32> to vector<1xf32>
    %broadcast_in_dim3A_46 = vector.shape_cast %reduce_sum3A_45 : vector<1xf32> to vector<1x1xf32>
    %add3A_47 = arith.addf %mul3A_44, %broadcast_in_dim3A_46 : vector<1x1xf32>
    %mul3A_48 = vector.broadcast %mul3A_38 : vector<256x1xf32> to vector<256x128xf32>
    %mul3A_49 = arith.mulf %mul3A_48, %select_n3A : vector<256x128xf32>
    %reduce_sum3A_50 = arith.constant dense<0.000000e+00> : vector<128xf32>
    %reduce_sum3A_51 = vector.multi_reduction <add>, %mul3A_49, %reduce_sum3A_50 [0] : vector<256x128xf32> to vector<128xf32>
    %broadcast_in_dim3A_52 = vector.shape_cast %reduce_sum3A_51 : vector<128xf32> to vector<1x128xf32>
    %get3A_53 = arith.constant 0 : index
    %get3A_54 = arith.constant 0 : index
    %get3A_55 = vector.load %arg7[%get3A_53, %get3A_54] : memref<1x128xf32, #tpu.memory_space<vmem>>, vector<1x128xf32>
    %mul3A_56 = vector.broadcast %exp3A_40 : vector<1x1xf32> to vector<1x128xf32>
    %mul3A_57 = arith.mulf %get3A_55, %mul3A_56 : vector<1x128xf32>
    %add3A_58 = arith.addf %mul3A_57, %broadcast_in_dim3A_52 : vector<1x128xf32>
    %swap3A = arith.constant 0 : index
    %swap3A_59 = arith.constant 0 : index
    %swap3A_60 = vector.load %arg7[%swap3A, %swap3A_59] : memref<1x128xf32, #tpu.memory_space<vmem>>, vector<1x128xf32>
    tpu.vector_store %arg7[%swap3A, %swap3A_59], %add3A_58 {strides = array<i32>} : memref<1x128xf32, #tpu.memory_space<vmem>>, vector<1x128xf32>,
    %swap3A_61 = arith.constant 0 : index
    %swap3A_62 = arith.constant 0 : index
    %swap3A_63 = vector.load %arg8[%swap3A_61, %swap3A_62] : memref<1x1xf32, #tpu.memory_space<vmem>>, vector<1x1xf32>
    tpu.vector_store %arg8[%swap3A_61, %swap3A_62], %max3A {strides = array<i32>} : memref<1x1xf32, #tpu.memory_space<vmem>>, vector<1x1xf32>,
    %swap3A_64 = arith.constant 0 : index
    %swap3A_65 = arith.constant 0 : index
    %swap3A_66 = vector.load %arg9[%swap3A_64, %swap3A_65] : memref<1x1xf32, #tpu.memory_space<vmem>>, vector<1x1xf32>
    tpu.vector_store %arg9[%swap3A_64, %swap3A_65], %add3A_47 {strides = array<i32>} : memref<1x1xf32, #tpu.memory_space<vmem>>, vector<1x1xf32>,
    %eq3A_67 = arith.constant 15 : i32
    %eq3A_68 = arith.cmpi eq, %arg1, %eq3A_67 : i32
    %convert_element_type3A_69 = arith.extui %eq3A_68 : i1 to i32
    %cond3A_70 = arith.constant 0 : i32
    %cond3A_71 = arith.cmpi ne, %convert_element_type3A_69, %cond3A_70 : i32
    scf.if %cond3A_71 {
      %div3A = vector.broadcast %add3A_47 : vector<1x1xf32> to vector<1x128xf32>
      %div3A_72 = arith.divf %add3A_58, %div3A : vector<1x128xf32>
      %swap3A_73 = arith.constant 0 : index
      %swap3A_74 = arith.constant 0 : index
      %swap3A_75 = arith.constant 0 : index
      %swap3A_76 = vector.load %arg6[%swap3A_73, %swap3A_74, %swap3A_75] : memref<1x1x128xf32, #tpu.memory_space<vmem>>, vector<1x1x128xf32>
      %swap3A_77 = vector.shape_cast %swap3A_76 : vector<1x1x128xf32> to vector<1x128xf32>
      %swap3A_78 = vector.shape_cast %div3A_72 : vector<1x128xf32> to vector<1x1x128xf32>
      tpu.vector_store %arg6[%swap3A_73, %swap3A_74, %swap3A_75], %swap3A_78 {strides = array<i32>} : memref<1x1x128xf32, #tpu.memory_space<vmem>>, vector<1x1x128xf32>,
    } else {
    }
    return
  }
  func.func @transform_0(%arg0: i32, %arg1: i32) -> (i32, i32, i32) {
    %c0_i32 = arith.constant 0 : i32
    %c0_i32_0 = arith.constant 0 : i32
    return %arg0, %arg1, %c0_i32 : i32, i32, i32
  }
  func.func @transform_1(%arg0: i32, %arg1: i32) -> (i32, i32, i32) {
    %c0_i32 = arith.constant 0 : i32
    %c0_i32_0 = arith.constant 0 : i32
    return %arg0, %arg1, %c0_i32 : i32, i32, i32
  }
  func.func @transform_2(%arg0: i32, %arg1: i32) -> (i32, i32) {
    %c0_i32 = arith.constant 0 : i32
    return %arg1, %arg0 : i32, i32
  }
  func.func @transform_3(%arg0: i32, %arg1: i32) -> (i32, i32, i32) {
    %c0_i32 = arith.constant 0 : i32
    %c0_i32_0 = arith.constant 0 : i32
    %c0_i32_1 = arith.constant 0 : i32
    return %arg0, %c0_i32, %c0_i32_0 : i32, i32, i32
  }
  func.func @transform_4(%arg0: i32, %arg1: i32) -> (i32, i32, i32) {
    %c0_i32 = arith.constant 0 : i32
    %c0_i32_0 = arith.constant 0 : i32
    %c0_i32_1 = arith.constant 0 : i32
    return %arg0, %c0_i32, %c0_i32_0 : i32, i32, i32
  }
}

module attributes {stable_mosaic.version = 14 : i64} {
  func.func @_oproj_body(%arg0: i32, %arg1: memref<1x4096xf32, #tpu.memory_space<vmem>>, %arg2: memref<128x4096xf32, #tpu.memory_space<vmem>>, %arg3: memref<128x1xf32, #tpu.memory_space<vmem>>) attributes {dimension_semantics = [#tpu.dimension_semantics<arbitrary>], iteration_bounds = array<i64: 32>, scalar_prefetch = 0 : i64, scratch_operands = 0 : i64, tpu.core_type = #tpu.core_type<tc>, window_params = [{pipeline_mode = #tpu.pipeline_mode<synchronous>, transform_indices = @transform_0, window_bounds = array<i64: 1, 4096>}, {transform_indices = @transform_1, window_bounds = array<i64: 128, 4096>}, {transform_indices = @transform_2, window_bounds = array<i64: 128, 1>}]} {
    %get3A = arith.constant 0 : index
    %get3A_0 = arith.constant 0 : index
    %get3A_1 = vector.load %arg1[%get3A, %get3A_0] : memref<1x4096xf32, #tpu.memory_space<vmem>>, vector<1x4096xf32>
    %get3A_2 = arith.constant 0 : index
    %get3A_3 = arith.constant 0 : index
    %get3A_4 = vector.load %arg2[%get3A_2, %get3A_3] : memref<128x4096xf32, #tpu.memory_space<vmem>>, vector<128x4096xf32>
    %convert_element_type3A = arith.truncf %get3A_4 : vector<128x4096xf32> to vector<128x4096xbf16>
    %convert_element_type3A_5 = arith.extf %convert_element_type3A : vector<128x4096xbf16> to vector<128x4096xf32>
    %convert_element_type3A_6 = arith.truncf %get3A_1 : vector<1x4096xf32> to vector<1x4096xbf16>
    %convert_element_type3A_7 = arith.extf %convert_element_type3A_6 : vector<1x4096xbf16> to vector<1x4096xf32>
    %mul3A = vector.broadcast %convert_element_type3A_7 : vector<1x4096xf32> to vector<128x4096xf32>
    %mul3A_8 = arith.mulf %convert_element_type3A_5, %mul3A : vector<128x4096xf32>
    %reduce_sum3A = arith.constant dense<0.000000e+00> : vector<128xf32>
    %reduce_sum3A_9 = vector.multi_reduction <add>, %mul3A_8, %reduce_sum3A [1] : vector<128x4096xf32> to vector<128xf32>
    %broadcast_in_dim3A = vector.shape_cast %reduce_sum3A_9 : vector<128xf32> to vector<128x1xf32>
    %swap3A = arith.constant 0 : index
    %swap3A_10 = arith.constant 0 : index
    %swap3A_11 = vector.load %arg3[%swap3A, %swap3A_10] : memref<128x1xf32, #tpu.memory_space<vmem>>, vector<128x1xf32>
    tpu.vector_store %arg3[%swap3A, %swap3A_10], %broadcast_in_dim3A {strides = array<i32>} : memref<128x1xf32, #tpu.memory_space<vmem>>, vector<128x1xf32>,
    return
  }
  func.func @transform_0(%arg0: i32) -> (i32, i32) {
    %c0_i32 = arith.constant 0 : i32
    %c0_i32_0 = arith.constant 0 : i32
    %c0_i32_1 = arith.constant 0 : i32
    return %c0_i32, %c0_i32_0 : i32, i32
  }
  func.func @transform_1(%arg0: i32) -> (i32, i32) {
    %c0_i32 = arith.constant 0 : i32
    %c0_i32_0 = arith.constant 0 : i32
    return %arg0, %c0_i32 : i32, i32
  }
  func.func @transform_2(%arg0: i32) -> (i32, i32) {
    %c0_i32 = arith.constant 0 : i32
    %c0_i32_0 = arith.constant 0 : i32
    return %arg0, %c0_i32 : i32, i32
  }
}

</mosaic_0001>

<sc_bundles>
// kernel: sparse-core-data-format-call.1.cloned.1.call-start
scs
called_computation.1_lowered:
.L_overlay_start_0:
0x0: {  	s1 =	sld [smem:$0x3FD9]  }
0x1: {  	s2 =	sld [smem:$0x3FFE];
	_ =	sdelay $0x1  }
0x2: {  	s3 =	srdreg.scid  }
0x3: {  	s0 =	sand.u32 $0x1, s3  }
0x4: {  	s17 =	sshll.u32 s0, $0xA;
	s1 =	sadd.s32 s2, s1  }
0x5: {  	s1 =	sadd.s32 s1, s17  }
0x6: {  	[smem:$0x3FC0] =	sst s1  }
0x7: {  	_ = 	snop  }
0x8: {  	(tm) =	ssettm $0x1  }
0x9: {  	s18 =	sld [smem:$0x3FFB];
	_ =	sdelay $0x3  }
0xa: {  	_ =	strace s18  }
0xb: {  	s1 =	sld [smem:$0x3FFC];
	_ =	sdelay $0x3  }
0xc: {  	_ =	strace s1  }
0xd: {  	s1 =	sld [smem:$0x3FFD];
	_ =	sdelay $0x3  }
0xe: {  	_ =	strace s1  }
0xf: {  	_ =	strace $0x8FFFFFFF  }
0x10: {  	s19 =	sld [smem:$0x3FDB];
	_ =	sdelay $0x1  }
0x11: {  	s20 =	simm.s32 $_scs_section_size  }
0x12: {  	s4 =	simm.s32 $_size__tile_overlayer_lowered;
	s5 =	simm.s32 $_tile_overlayer_lowered  }
0x13: {  	s23 =	simm.s32 $0x1BFF;
	s22 =	sshll.u32 s5, $0x1;
	s1 =	sadd.s32 s20, s19  }
0x14: {  	s6 =	simm.s32 $0x0;
	s21 =	sshll.u32 s4, $0x1;
	s4 =	sadd.s32 s22, s1  }
0x15: {  	[timem:s6], [sflag:s23] =	dma.local [hbm:s4], s21  }
0x16: {  	_ =	swait.ge [sflag:s23], s21  }
0x17: {  	s2 =	ssub.s32 $0x0, s21;
	[sflag:s23] =	ssyncset.done $0x0  }
0x18: {  	[sflag:s23] =	ssyncadd.s32 s2;
	_ =	sdelay $0x1  }
0x19: {  	s24 =	simm.s32 $0x1B8B  }
0x1a: {  	_ =	swait.ge [sflag:s24], $0x1  }
0x1b: {  	[sflag:s24] =	ssyncset.done $0x0  }
0x1c: {  	s26 =	simm.s32 $0x1B8E;
	s25 =	sld [smem:$0x3FFE];
	[sflag:s24] =	ssyncadd.s32 $0xFFFFFFFF  }
0x1d: {  	s27 =	simm.s32 $execute0_lowered;
	[smem:$0x3FD2] =	sst s26  }
0x1e: {  	s4 =	sshll.u32 s27, $0x1;
	_ =	strace $0x80000046;
	[dreg:$0x1] =	wrdreg $0xFFFFFFFF  }
0x1f: {  	s28 =	simm.s32 $_size_execute0_lowered;
	s1 =	sadd.s32 s1, s4;
	[dreg:$0x0] =	wrdreg $0x0  }
0x20: {  	s4 =	sshll.u32 s28, $0x1;
	[dreg:$0x2] =	wrdreg s1  }
0x21: {  	[dreg:$0x3] =	wrdreg s4  }
0x22: {  	[dreg:$0x4] =	wrdreg $0xC0  }
0x23: {  	_ =	task [dreg:s6], $0x5FFFF  }
0x24: {  	[dreg:$0x1] =	wrdreg $0xFFFFFFFF  }
0x25: {  	[dreg:$0x0] =	wrdreg $0x60  }
0x26: {  	[dreg:$0x2] =	wrdreg s25  }
0x27: {  	[dreg:$0x3] =	wrdreg $0xA  }
0x28: {  	_ =	task.clear_ibuf [dreg:s6], $0x4FFFF;
	_ =	strace $0x90000046  }
0x29: {  	s29 =	simm.s32 $0xA;
	_ =	strace $0x80000048  }
0x2a: {  	_ =	swait.ge [sflag:s29], $0x1  }
0x2b: {  	[sflag:s29] =	ssyncadd.s32 $0xFFFFFFFF  }
0x2c: {  	_ =	strace $0x90000048  }
0x2d: {  	_ =	sfence  }
0x2e: {  	s30 =	sld [smem:$0x0];
	_ =	sdelay $0x2  }
0x2f: {  	s31 =	sshll.u32 s3, $0xD;
	s3 =	sshrl.u32 s3, $0x2  }
0x30: {  	s2 =	sand.u32 $0x4000, s31;
	s1 =	sadd.s32 s3, s30  }
0x31: {  	s0 =	sor.u32 s2, s0;
	s1 =	sshll.u32 s1, $0x11  }
0x32: {  	s0 =	sor.u32 s1, s0  }
0x33: {  	s0 =	sadd.s32 $0x8F2B, s0  }
0x34: {  	[sflag:s0] =	ssyncadd.remote.s32 $0x1  }
0x35: {  	_ =	sfence.sel $0xFFFF  }
0x36: {  	[dreg:$0x0] =	wrdreg $0xFFFFFFFF;
	(pc) =	sbr.abs _section_cstart, $3  }
0x37: {  	[dreg:$0x1] =	wrdreg $0xFFFFFFFF  }
0x38: {  	_ =	task.clear_ibuf [dreg:s6], $0x2FFFF;
	_ =	strace $0x9FFFFFFF  }
0x39: {  	(tm) =	ssettm $0x7FFFFFFF  }
tec
execute0_lowered:
.L_overlay_start_1:
0x0: {  	(tag) =	ssettag $0x1  }
0x1: {  	s2 =	rddreg [dreg:$0x0]  }
0x2: {  	s0 =	rddreg [dreg:$0x1];
	_ =	strace $0x80000047;
	s4 =	srdreg.scid  }
0x3: {  	s1 =	stileid.u32;
	s6 =	simm.s32 $0x2;
	s11 =	simm.s32 $0x0  }
.Ltmp0:
0x4: {  	p0 =	por $0x0, $0x0;
	s7 =	simm.s32 $0x400;
	(pc) =	sbr.rel .LBB1_1-.Ltmp0, $4  }
0x5: {  	s12 =	simm.s32 $0x0;
	s9 =	simm.s32 $0x0;
	s5 =	sshll.u32 s4, $0x4  }
0x6: {  	s8 =	simm.s32 $0x0;
	s4 =	simm.s32 $0x1;
	s5 =	sand.u32 $0x10, s5  }
0x7: {  	s3 =	sadd.s32 $0x200000, s2;
	[sflag:s4] =	ssyncpa.u1 $0x0;
	s5 =	sor.u32 s1, s5  }
0x8: {  	[sflag:s6] =	ssyncpa.u1 $0x0;
	s6 =	simm.s32 $0x200;
	s10 =	smov.u32 s5  }
.LBB1_7:
0x9: {  	s13 =	sadd.s32 $0x4, s9  }
0xa: {  	s11 =	sadd.s32 $0x20, s10;
	s15 =	smov.u32 s10;
	p2 =	sgt.s32 s13, $0x7  }
0xb: {  	p1 =	slt.u32 s8, $0x2;
	s15 =	smov.u32 @p2 s11  }
0xc: {  	s8 =	sadd.s32 $0x1, s8;
	s13 =	simm.s32 @p2 $0x0;
	p2 =	sgt.s32 s15, $0x1FF  }
0xd: {  	s15 =	smov.u32 @p2 s5;
	p2 =	sne.s32 s8, $0x22  }
.Ltmp1:
0xe: {  	_ = 	snop;
	(pc) =	sbr.rel @!p2 .LBB1_8-.Ltmp1, $4  }
0xf: {  	s14 =	simm.s32 @!p1 $0x2  }
0x10: {  	s12 =	smov.u32 s10;
	_ =	swait.ge @!p1 [sflag:s14], $0x4000  }
0x11: {  	p0 =	por !p0, !p0;
	s11 =	smov.u32 s9;
	[sflag:s14] =	ssyncset.done @!p1 $0x0  }
0x12: {  	s9 =	smov.u32 s13;
	[sflag:s14] =	ssyncadd.s32 @!p1 $0xFFFFC000;
	s10 =	smov.u32 s15  }
.LBB1_1:
0x13: {  	p1 =	sgt.u32 s8, $0x1F  }
0x14: {  	s13 =	sxor.u32 @!p1 $0xFFFFFFFF, s8;
	s14 =	sshll.u32 @!p1 s10, $0xC  }
0x15: {  	s15 =	sshll.u32 @!p1 s9, $0x9;
	s13 =	sshll.u32 @!p1 s13, $0xE;
	s14 =	sadd.s32 @!p1 s2, s14  }
0x16: {  	s13 =	sand.u32 @!p1 $0x4000, s13;
	s14 =	sadd.s32 @!p1 s15, s14;
	s15 =	simm.s32 @!p1 $0x0  }
0x17: {  	[tilespmem:s13], [sflag:$0x1] =	stream.linear.gather @!p1 [hbm4b:s14+s15], $0x4000, $0x38;
	[tilespmem:$0x10000] =	vst v63  }
0x18: {  	p1 =	seq.s32 s8, $0x0  }
0x19: {  	p2 =	seq.s32 @!p1 s8, $0x21  }
0x1a: {  	p1 =	por p1, p2  }
.Ltmp2:
0x1b: {  	_ = 	snop;
	(pc) =	sbr.rel @p1 .LBB1_7-.Ltmp2, $1  }
0x1c: {  	_ =	sdelay $0x3  }
0x1d: {  	s13 =	simm.s32 $0x1;
	_ =	swait.ge [sflag:s4], $0x4000;
	s16 =	sshll.u32 s8, $0xE  }
0x1e: {  	s13 =	simm.s32 @!p0 $0x0;
	[sflag:s4] =	ssyncset.done $0x0;
	s31 =	sand.u32 $0x4000, s16  }
0x1f: {  	s16 =	simm.s32 $0x0;
	s14 =	sshll.u32 s13, $0xE;
	[sflag:s4] =	ssyncadd.s32 $0xFFFFC000  }
0x20: {  	s13 =	sor.u32 $0x8040, s14;
	s15 =	sor.u32 $0x40, s14;
	s14 =	sor.u32 $0x8000, s31  }
.LBB1_3:
0x21: {  	v0 =	vmov s15;
	_ =	sdelay $0x3  }
0x22: {  	s18 =	simm.s32 $0x0  }
0x23: {  	v6 =	vld.idx.msk [tilespmem:v0+s18+$0x30 ss:$0x1], $0xffff  }
0x24: {  	v7 =	vld.idx.msk [tilespmem:v0+s18+$0xFFFFFFC0 ss:$0x1], $0xffff  }
0x25: {  	v5 =	vld.idx.msk [tilespmem:v0+s18+$0xFFFFFFD0 ss:$0x1], $0xffff  }
0x26: {  	v4 =	vld.idx.msk [tilespmem:v0+s18+$0xFFFFFFE0 ss:$0x1], $0xffff  }
0x27: {  	v3 =	vld.idx.msk [tilespmem:v0+s18+$0xFFFFFFF0 ss:$0x1], $0xffff  }
0x28: {  	v1 =	vld.idx.msk [tilespmem:v0+s18+$0x0 ss:$0x1], $0xffff  }
0x29: {  	v2 =	vld.idx.msk [tilespmem:v0+s18+$0x10 ss:$0x1], $0xffff;
	[tilespmem:s13+$0x30] =	vst v6  }
0x2a: {  	s17 =	simm.s32 $0x80;
	s19 =	simm.s32 $0x400;
	[tilespmem:s13+$0xFFFFFFC0] =	vst v7;
	v6 =	vld.idx.msk [tilespmem:v0+s18+$0x20 ss:$0x1], $0xffff;
	s18 =	smov.u32 s13  }
.LBB1_4:
0x2b: {  	p1 =	sne.s32 s19, $0x3E00;
	v7 =	vld.idx.msk [tilespmem:v0+s17+$0x30 ss:$0x1], $0xffff;
	[tilespmem:s18+$0xFFFFFFD0] =	vst v5  }
0x2c: {  	v8 =	vld.idx.msk [tilespmem:v0+s17+$0xFFFFFFC0 ss:$0x1], $0xffff;
	[tilespmem:s18+$0xFFFFFFE0] =	vst v4  }
0x2d: {  	v5 =	vld.idx.msk [tilespmem:v0+s17+$0xFFFFFFD0 ss:$0x1], $0xffff;
	[tilespmem:s18+$0xFFFFFFF0] =	vst v3  }
.Ltmp3:
0x2e: {  	v4 =	vld.idx.msk [tilespmem:v0+s17+$0xFFFFFFE0 ss:$0x1], $0xffff;
	[tilespmem:s18+$0x0] =	vst v1;
	(pc) =	sbr.rel @p1 .LBB1_4-.Ltmp3, $4  }
0x2f: {  	v3 =	vld.idx.msk [tilespmem:v0+s17+$0xFFFFFFF0 ss:$0x1], $0xffff;
	[tilespmem:s18+$0x10] =	vst v2  }
0x30: {  	v1 =	vld.idx.msk [tilespmem:v0+s17+$0x0 ss:$0x1], $0xffff;
	[tilespmem:s18+$0x20] =	vst v6;
	s18 =	sadd.s32 $0x200, s18  }
0x31: {  	v2 =	vld.idx.msk [tilespmem:v0+s17+$0x10 ss:$0x1], $0xffff;
	[tilespmem:s18+$0x30] =	vst v7  }
0x32: {  	[tilespmem:s18+$0xFFFFFFC0] =	vst v8;
	v6 =	vld.idx.msk [tilespmem:v0+s17+$0x20 ss:$0x1], $0xffff;
	s17 =	sshra.s32 s19, $0x2;
	s19 =	sadd.s32 $0x200, s19  }
0x33: {  	_ =	sdelay $0x2  }
0x34: {  	[tilespmem:s18+$0xFFFFFFD0] =	vst v5  }
0x35: {  	v56 =	vld.idx.msk [tilespmem:v0+s17+$0x30 ss:$0x1], $0xffff;
	[tilespmem:s18+$0xFFFFFFE0] =	vst v4  }
0x36: {  	v57 =	vld.idx.msk [tilespmem:v0+s17+$0xFFFFFFC0 ss:$0x1], $0xffff;
	[tilespmem:s18+$0xFFFFFFF0] =	vst v3  }
0x37: {  	v58 =	vld.idx.msk [tilespmem:v0+s17+$0xFFFFFFD0 ss:$0x1], $0xffff;
	[tilespmem:s18+$0x0] =	vst v1  }
0x38: {  	v59 =	vld.idx.msk [tilespmem:v0+s17+$0xFFFFFFE0 ss:$0x1], $0xffff;
	[tilespmem:s18+$0x10] =	vst v2  }
0x39: {  	v60 =	vld.idx.msk [tilespmem:v0+s17+$0xFFFFFFF0 ss:$0x1], $0xffff;
	s31 =	sadd.s32 $0x200, s18;
	[tilespmem:s18+$0x20] =	vst v6  }
0x3a: {  	v61 =	vld.idx.msk [tilespmem:v0+s17+$0x0 ss:$0x1], $0xffff;
	[tilespmem:s31+$0x30] =	vst v56  }
0x3b: {  	v62 =	vld.idx.msk [tilespmem:v0+s17+$0x10 ss:$0x1], $0xffff;
	s16 =	sadd.s32 $0x1, s16;
	[tilespmem:s31+$0xFFFFFFC0] =	vst v57  }
0x3c: {  	v63 =	vld.idx.msk [tilespmem:v0+s17+$0x20 ss:$0x1], $0xffff;
	p1 =	sne.s32 s16, $0x4;
	[tilespmem:s31+$0xFFFFFFD0] =	vst v58  }
.Ltmp4:
0x3d: {  	[tilespmem:s31+$0xFFFFFFE0] =	vst v59;
	(pc) =	sbr.rel @p1 .LBB1_3-.Ltmp4, $4  }
0x3e: {  	[tilespmem:s31+$0xFFFFFFF0] =	vst v60  }
0x3f: {  	[tilespmem:s31+$0x0] =	vst v61  }
0x40: {  	[tilespmem:s31+$0x10] =	vst v62  }
0x41: {  	s13 =	sadd.s32 $0x80, s13;
	s15 =	sadd.s32 $0x1000, s15;
	[tilespmem:s31+$0x20] =	vst v63  }
.Ltmp5:
0x42: {  	(pc) =	sbr.rel .LBB1_7-.Ltmp5, $4  }
0x43: {  	s12 =	sshll.u32 s12, $0xC;
	s11 =	sshll.u32 s11, $0x4  }
0x44: {  	s11 =	sand.u32 $0x70, s11;
	s12 =	sadd.s32 s3, s12  }
0x45: {  	s11 =	sadd.s32 s11, s12  }
0x46: {  	[hbm4b:s11+s6] =	stream.strided.scatter [tilespmem:s14], [sflag:$0x2], $0x4000, s7, s6, $0x38;
	[tilespmem:$0x10000] =	vst v63  }
.LBB1_8:
0x47: {  	_ =	sfence.sel $0x180000  }
0x48: {  	s2 =	simm.s32 $0x1;
	[bflag:$0x0] =	sbarrier.arrive $0xFFFF  }
0x49: {  	s31 =	simm.s32 $0x2;
	[sflag:s2] =	ssyncpa.u1 $0x1  }
0x4a: {  	[sflag:s31] =	ssyncpa.u1 $0x1  }
0x4b: {  	p0 =	sne.s32 s1, $0x0;
	_ =	strace $0x90000047  }
0x4c: {  	s0 =	sadd.s32 @!p0 $0x100000, s0;
	[bflag:$0x2] =	sbarrier.arrive $0xFFFF  }
0x4d: {  	[sflag:s0] =	ssyncadd.tile.s32 @!p0 $0x1;
	_ =	shalt  }
.Lfunc_end1:
_tile_overlayer_lowered:
.L_overlay_start_2:
0x4e: {  	(tag) =	ssettag $0x2  }
0x4f: {  	s0 =	rddreg [dreg:$0x0];
	s2 =	stileid.u32  }
0x50: {  	s1 =	rddreg [dreg:$0x1];
	p0 =	sne.s32 s2, $0x0  }
0x51: {  	s3 =	rddreg [dreg:$0x2];
	[bflag:$0x3] =	sbarrier.arrive $0xFFFF;
	s2 =	simm.s32 @!p0 $0x1C01  }
0x52: {  	[timem:s3], [sflag:s2] =	dma.local @!p0 [hbm:s0], s1  }
0x53: {  	s0 =	simm.s32 @!p0 $0x1  }
0x54: {  	_ =	swait.ge @!p0 [sflag:s0], s1  }
0x55: {  	s1 =	ssub.s32 @!p0 $0x0, s1;
	[sflag:s0] =	ssyncset.done @!p0 $0x0  }
0x56: {  	[sflag:s0] =	ssyncadd.s32 @!p0 s1  }
0x57: {  	[bflag:$0x3] =	sbarrier.arrive $0xFFFF  }
0x58: {  	_ =	shalt  }

// kernel: sparse-core-data-format-call.cloned.1.call-start
scs
called_computation_lowered:
.L_overlay_start_0:
0x0: {  	s2 =	sld [smem:$0x3FD9]  }
0x1: {  	s3 =	sld [smem:$0x3FFE];
	_ =	sdelay $0x1  }
0x2: {  	s1 =	srdreg.scid  }
0x3: {  	s0 =	sand.u32 $0x1, s1  }
0x4: {  	s18 =	sshll.u32 s0, $0xA;
	s2 =	sadd.s32 s3, s2  }
0x5: {  	s2 =	sadd.s32 s2, s18  }
0x6: {  	[smem:$0x3FC0] =	sst s2  }
0x7: {  	_ = 	snop  }
0x8: {  	(tm) =	ssettm $0x1  }
0x9: {  	s19 =	sld [smem:$0x3FFB];
	_ =	sdelay $0x3  }
0xa: {  	_ =	strace s19  }
0xb: {  	s2 =	sld [smem:$0x3FFC];
	_ =	sdelay $0x3  }
0xc: {  	_ =	strace s2  }
0xd: {  	s2 =	sld [smem:$0x3FFD];
	_ =	sdelay $0x3  }
0xe: {  	_ =	strace s2  }
0xf: {  	_ =	strace $0x8FFFFFFF  }
0x10: {  	s20 =	sld [smem:$0x3FDB];
	_ =	sdelay $0x1  }
0x11: {  	s21 =	simm.s32 $_scs_section_size  }
0x12: {  	s4 =	simm.s32 $_size__tile_overlayer_lowered;
	s5 =	simm.s32 $_tile_overlayer_lowered  }
0x13: {  	s6 =	simm.s32 $0x1BFF;
	s22 =	sshll.u32 s5, $0x1;
	s3 =	sadd.s32 s21, s20  }
0x14: {  	s23 =	simm.s32 $0x0;
	s4 =	sshll.u32 s4, $0x1;
	s5 =	sadd.s32 s22, s3  }
0x15: {  	[timem:s23], [sflag:s6] =	dma.local [hbm:s5], s4  }
0x16: {  	_ =	swait.ge [sflag:s6], s4  }
0x17: {  	s4 =	ssub.s32 $0x0, s4;
	[sflag:s6] =	ssyncset.done $0x0  }
0x18: {  	[sflag:s6] =	ssyncadd.s32 s4;
	_ =	sdelay $0x1  }
0x19: {  	s24 =	simm.s32 $0x1B8B  }
0x1a: {  	_ =	swait.ge [sflag:s24], $0x1  }
0x1b: {  	[sflag:s24] =	ssyncset.done $0x0  }
0x1c: {  	[sflag:s24] =	ssyncadd.s32 $0xFFFFFFFF  }
0x1d: {  	s4 =	sld [smem:$0x0]  }
0x1e: {  	s5 =	sand.u32 $0xFFFFFFFE, s1  }
0x1f: {  	p0 =	sne.s32 s1, s5  }
0x20: {  	s5 =	sshll.u32 @p0 s5, $0xE  }
0x21: {  	s5 =	sadd.s32 @p0 $0x11B8D, s5;
	s6 =	sshll.u32 @p0 s4, $0x11  }
0x22: {  	s5 =	sor.u32 @p0 s6, s5  }
0x23: {  	[sflag:s5] =	ssyncadd.remote.s32 @p0 $0x1;
	_ =	sdelay $0x1  }
0x24: {  	s5 =	simm.s32 @p0 $0x1B8D  }
0x25: {  	_ =	swait.eq @p0 [sflag:s5], $0x1  }
0x26: {  	[sflag:s5] =	ssyncadd.s32 @p0 $0xFFFFFFFF  }
0x27: {  	s6 =	sshll.u32 @!p0 s1, $0xE  }
0x28: {  	s6 =	sor.u32 @!p0 $0x4000, s6;
	s5 =	simm.s32 @!p0 $0x1B8D  }
0x29: {  	s4 =	sshll.u32 @!p0 s4, $0x11;
	s6 =	sadd.s32 @!p0 $0x11B8D, s6;
	_ =	swait.eq @!p0 [sflag:s5], $0x1  }
0x2a: {  	s4 =	sor.u32 @!p0 s4, s6;
	[sflag:s5] =	ssyncadd.s32 @!p0 $0xFFFFFFFF  }
0x2b: {  	s26 =	simm.s32 $0x1B8E;
	s25 =	sld [smem:$0x3FFE];
	[sflag:s4] =	ssyncadd.remote.s32 @!p0 $0x1  }
0x2c: {  	s27 =	simm.s32 $execute0_lowered;
	[smem:$0x3FD2] =	sst s26  }
0x2d: {  	s5 =	sshll.u32 s27, $0x1;
	_ =	strace $0x80000049;
	[dreg:$0x1] =	wrdreg $0xFFFFFFFF  }
0x2e: {  	s28 =	simm.s32 $_size_execute0_lowered;
	s3 =	sadd.s32 s3, s5;
	[dreg:$0x0] =	wrdreg $0x0  }
0x2f: {  	s5 =	sshll.u32 s28, $0x1;
	[dreg:$0x2] =	wrdreg s3  }
0x30: {  	[dreg:$0x3] =	wrdreg s5  }
0x31: {  	[dreg:$0x4] =	wrdreg $0xC0  }
0x32: {  	_ =	task [dreg:s23], $0x5FFFF  }
0x33: {  	[dreg:$0x1] =	wrdreg $0xFFFFFFFF  }
0x34: {  	[dreg:$0x0] =	wrdreg $0x60  }
0x35: {  	[dreg:$0x2] =	wrdreg s25  }
0x36: {  	[dreg:$0x3] =	wrdreg $0x9  }
0x37: {  	_ =	task.clear_ibuf [dreg:s23], $0x4FFFF;
	_ =	strace $0x90000049  }
0x38: {  	s29 =	simm.s32 $0x9;
	_ =	strace $0x8000004B  }
0x39: {  	_ =	swait.ge [sflag:s29], $0x1  }
0x3a: {  	[sflag:s29] =	ssyncadd.s32 $0xFFFFFFFF  }
0x3b: {  	_ =	strace $0x9000004B  }
0x3c: {  	_ =	sfence  }
0x3d: {  	s30 =	sld [smem:$0x0];
	_ =	sdelay $0x2  }
0x3e: {  	s31 =	sshll.u32 s1, $0xD;
	s1 =	sshrl.u32 s1, $0x2  }
0x3f: {  	s4 =	sand.u32 $0x4000, s31;
	s1 =	sadd.s32 s1, s30  }
0x40: {  	s0 =	sor.u32 s4, s0;
	s1 =	sshll.u32 s1, $0x11  }
0x41: {  	s0 =	sor.u32 s1, s0  }
0x42: {  	s0 =	sadd.s32 $0x8F2B, s0  }
0x43: {  	[sflag:s0] =	ssyncadd.remote.s32 $0x1  }
0x44: {  	_ =	sfence.sel $0xFFFF  }
0x45: {  	[dreg:$0x0] =	wrdreg $0xFFFFFFFF;
	(pc) =	sbr.abs _section_cstart, $3  }
0x46: {  	[dreg:$0x1] =	wrdreg $0xFFFFFFFF  }
0x47: {  	_ =	task.clear_ibuf [dreg:s23], $0x2FFFF;
	_ =	strace $0x9FFFFFFF  }
0x48: {  	(tm) =	ssettm $0x7FFFFFFF  }
0x49: {  	_ =	shalt  }
tec
execute0_lowered:
.L_overlay_start_1:
0x0: {  	(tag) =	ssettag $0x1  }
0x1: {  	s1 =	rddreg [dreg:$0x0]  }
0x2: {  	s0 =	rddreg [dreg:$0x1]  }
0x3: {  	_ =	strace $0x8000004A;
	s4 =	srdreg.scid;
	s6 =	simm.s32 $0x2  }
0x4: {  	s11 =	simm.s32 $0x0;
	p0 =	por $0x0, $0x0;
	s7 =	simm.s32 $0x400  }
.Ltmp0:
0x5: {  	s12 =	simm.s32 $0x0;
	s9 =	simm.s32 $0x0;
	(pc) =	sbr.rel .LBB1_1-.Ltmp0, $4  }
0x6: {  	s2 =	sadd.s32 $0x400000, s1;
	s3 =	sadd.s32 $0x600000, s1;
	s5 =	sshll.u32 s4, $0x4  }
0x7: {  	s1 =	stileid.u32;
	s4 =	simm.s32 $0x1;
	s5 =	sand.u32 $0x10, s5  }
0x8: {  	s8 =	simm.s32 $0x0;
	[sflag:s4] =	ssyncpa.u1 $0x0;
	s5 =	sor.u32 s1, s5  }
0x9: {  	[sflag:s6] =	ssyncpa.u1 $0x0;
	s6 =	simm.s32 $0x200;
	s10 =	smov.u32 s5  }
.LBB1_7:
0xa: {  	s13 =	sadd.s32 $0x4, s9  }
0xb: {  	s11 =	sadd.s32 $0x20, s10;
	s15 =	smov.u32 s10;
	p2 =	sgt.s32 s13, $0x7  }
0xc: {  	p1 =	slt.u32 s8, $0x2;
	s15 =	smov.u32 @p2 s11  }
0xd: {  	s8 =	sadd.s32 $0x1, s8;
	s13 =	simm.s32 @p2 $0x0;
	p2 =	sgt.s32 s15, $0x1FF  }
0xe: {  	s15 =	smov.u32 @p2 s5;
	p2 =	sne.s32 s8, $0x22  }
.Ltmp1:
0xf: {  	_ = 	snop;
	(pc) =	sbr.rel @!p2 .LBB1_8-.Ltmp1, $4  }
0x10: {  	s14 =	simm.s32 @!p1 $0x2  }
0x11: {  	s12 =	smov.u32 s10;
	_ =	swait.ge @!p1 [sflag:s14], $0x4000  }
0x12: {  	p0 =	por !p0, !p0;
	s11 =	smov.u32 s9;
	[sflag:s14] =	ssyncset.done @!p1 $0x0  }
0x13: {  	s9 =	smov.u32 s13;
	[sflag:s14] =	ssyncadd.s32 @!p1 $0xFFFFC000;
	s10 =	smov.u32 s15  }
.LBB1_1:
0x14: {  	p1 =	sgt.u32 s8, $0x1F  }
0x15: {  	s13 =	sxor.u32 @!p1 $0xFFFFFFFF, s8;
	s14 =	sshll.u32 @!p1 s10, $0xC  }
0x16: {  	s15 =	sshll.u32 @!p1 s9, $0x9;
	s13 =	sshll.u32 @!p1 s13, $0xE;
	s14 =	sadd.s32 @!p1 s2, s14  }
0x17: {  	s13 =	sand.u32 @!p1 $0x4000, s13;
	s14 =	sadd.s32 @!p1 s15, s14;
	s15 =	simm.s32 @!p1 $0x0  }
0x18: {  	[tilespmem:s13], [sflag:$0x1] =	stream.linear.gather @!p1 [hbm4b:s14+s15], $0x4000, $0x38;
	[tilespmem:$0x10000] =	vst v63  }
0x19: {  	p1 =	seq.s32 s8, $0x0  }
0x1a: {  	p2 =	seq.s32 @!p1 s8, $0x21  }
0x1b: {  	p1 =	por p1, p2  }
.Ltmp2:
0x1c: {  	_ = 	snop;
	(pc) =	sbr.rel @p1 .LBB1_7-.Ltmp2, $1  }
0x1d: {  	_ =	sdelay $0x3  }
0x1e: {  	s13 =	simm.s32 $0x1;
	_ =	swait.ge [sflag:s4], $0x4000;
	s16 =	sshll.u32 s8, $0xE  }
0x1f: {  	s13 =	simm.s32 @!p0 $0x0;
	[sflag:s4] =	ssyncset.done $0x0;
	s31 =	sand.u32 $0x4000, s16  }
0x20: {  	s16 =	simm.s32 $0x0;
	s14 =	sshll.u32 s13, $0xE;
	[sflag:s4] =	ssyncadd.s32 $0xFFFFC000  }
0x21: {  	s13 =	sor.u32 $0x8040, s14;
	s15 =	sor.u32 $0x40, s14;
	s14 =	sor.u32 $0x8000, s31  }
.LBB1_3:
0x22: {  	v0 =	vmov s15;
	_ =	sdelay $0x3  }
0x23: {  	s18 =	simm.s32 $0x0  }
0x24: {  	v6 =	vld.idx.msk [tilespmem:v0+s18+$0x30 ss:$0x1], $0xffff  }
0x25: {  	v7 =	vld.idx.msk [tilespmem:v0+s18+$0xFFFFFFC0 ss:$0x1], $0xffff  }
0x26: {  	v5 =	vld.idx.msk [tilespmem:v0+s18+$0xFFFFFFD0 ss:$0x1], $0xffff  }
0x27: {  	v4 =	vld.idx.msk [tilespmem:v0+s18+$0xFFFFFFE0 ss:$0x1], $0xffff  }
0x28: {  	v3 =	vld.idx.msk [tilespmem:v0+s18+$0xFFFFFFF0 ss:$0x1], $0xffff  }
0x29: {  	v1 =	vld.idx.msk [tilespmem:v0+s18+$0x0 ss:$0x1], $0xffff  }
0x2a: {  	v2 =	vld.idx.msk [tilespmem:v0+s18+$0x10 ss:$0x1], $0xffff;
	[tilespmem:s13+$0x30] =	vst v6  }
0x2b: {  	s17 =	simm.s32 $0x80;
	s19 =	simm.s32 $0x400;
	[tilespmem:s13+$0xFFFFFFC0] =	vst v7;
	v6 =	vld.idx.msk [tilespmem:v0+s18+$0x20 ss:$0x1], $0xffff;
	s18 =	smov.u32 s13  }
.LBB1_4:
0x2c: {  	p1 =	sne.s32 s19, $0x3E00;
	v7 =	vld.idx.msk [tilespmem:v0+s17+$0x30 ss:$0x1], $0xffff;
	[tilespmem:s18+$0xFFFFFFD0] =	vst v5  }
0x2d: {  	v8 =	vld.idx.msk [tilespmem:v0+s17+$0xFFFFFFC0 ss:$0x1], $0xffff;
	[tilespmem:s18+$0xFFFFFFE0] =	vst v4  }
0x2e: {  	v5 =	vld.idx.msk [tilespmem:v0+s17+$0xFFFFFFD0 ss:$0x1], $0xffff;
	[tilespmem:s18+$0xFFFFFFF0] =	vst v3  }
.Ltmp3:
0x2f: {  	v4 =	vld.idx.msk [tilespmem:v0+s17+$0xFFFFFFE0 ss:$0x1], $0xffff;
	[tilespmem:s18+$0x0] =	vst v1;
	(pc) =	sbr.rel @p1 .LBB1_4-.Ltmp3, $4  }
0x30: {  	v3 =	vld.idx.msk [tilespmem:v0+s17+$0xFFFFFFF0 ss:$0x1], $0xffff;
	[tilespmem:s18+$0x10] =	vst v2  }
0x31: {  	v1 =	vld.idx.msk [tilespmem:v0+s17+$0x0 ss:$0x1], $0xffff;
	[tilespmem:s18+$0x20] =	vst v6;
	s18 =	sadd.s32 $0x200, s18  }
0x32: {  	v2 =	vld.idx.msk [tilespmem:v0+s17+$0x10 ss:$0x1], $0xffff;
	[tilespmem:s18+$0x30] =	vst v7  }
0x33: {  	[tilespmem:s18+$0xFFFFFFC0] =	vst v8;
	v6 =	vld.idx.msk [tilespmem:v0+s17+$0x20 ss:$0x1], $0xffff;
	s17 =	sshra.s32 s19, $0x2;
	s19 =	sadd.s32 $0x200, s19  }
0x34: {  	_ =	sdelay $0x2  }
0x35: {  	[tilespmem:s18+$0xFFFFFFD0] =	vst v5  }
0x36: {  	v56 =	vld.idx.msk [tilespmem:v0+s17+$0x30 ss:$0x1], $0xffff;
	[tilespmem:s18+$0xFFFFFFE0] =	vst v4  }
0x37: {  	v57 =	vld.idx.msk [tilespmem:v0+s17+$0xFFFFFFC0 ss:$0x1], $0xffff;
	[tilespmem:s18+$0xFFFFFFF0] =	vst v3  }
0x38: {  	v58 =	vld.idx.msk [tilespmem:v0+s17+$0xFFFFFFD0 ss:$0x1], $0xffff;
	[tilespmem:s18+$0x0] =	vst v1  }
0x39: {  	v59 =	vld.idx.msk [tilespmem:v0+s17+$0xFFFFFFE0 ss:$0x1], $0xffff;
	[tilespmem:s18+$0x10] =	vst v2  }
0x3a: {  	v60 =	vld.idx.msk [tilespmem:v0+s17+$0xFFFFFFF0 ss:$0x1], $0xffff;
	s31 =	sadd.s32 $0x200, s18;
	[tilespmem:s18+$0x20] =	vst v6  }
0x3b: {  	v61 =	vld.idx.msk [tilespmem:v0+s17+$0x0 ss:$0x1], $0xffff;
	[tilespmem:s31+$0x30] =	vst v56  }
0x3c: {  	v62 =	vld.idx.msk [tilespmem:v0+s17+$0x10 ss:$0x1], $0xffff;
	s16 =	sadd.s32 $0x1, s16;
	[tilespmem:s31+$0xFFFFFFC0] =	vst v57  }
0x3d: {  	v63 =	vld.idx.msk [tilespmem:v0+s17+$0x20 ss:$0x1], $0xffff;
	p1 =	sne.s32 s16, $0x4;
	[tilespmem:s31+$0xFFFFFFD0] =	vst v58  }
.Ltmp4:
0x3e: {  	[tilespmem:s31+$0xFFFFFFE0] =	vst v59;
	(pc) =	sbr.rel @p1 .LBB1_3-.Ltmp4, $4  }
0x3f: {  	[tilespmem:s31+$0xFFFFFFF0] =	vst v60  }
0x40: {  	[tilespmem:s31+$0x0] =	vst v61  }
0x41: {  	[tilespmem:s31+$0x10] =	vst v62  }
0x42: {  	s13 =	sadd.s32 $0x80, s13;
	s15 =	sadd.s32 $0x1000, s15;
	[tilespmem:s31+$0x20] =	vst v63  }
.Ltmp5:
0x43: {  	(pc) =	sbr.rel .LBB1_7-.Ltmp5, $4  }
0x44: {  	s12 =	sshll.u32 s12, $0xC;
	s11 =	sshll.u32 s11, $0x4  }
0x45: {  	s11 =	sand.u32 $0x70, s11;
	s12 =	sadd.s32 s3, s12  }
0x46: {  	s11 =	sadd.s32 s11, s12  }
0x47: {  	[hbm4b:s11+s6] =	stream.strided.scatter [tilespmem:s14], [sflag:$0x2], $0x4000, s7, s6, $0x38;
	[tilespmem:$0x10000] =	vst v63  }
.LBB1_8:
0x48: {  	_ =	sfence.sel $0x180000  }
0x49: {  	s2 =	simm.s32 $0x1;
	[bflag:$0x0] =	sbarrier.arrive $0xFFFF  }
0x4a: {  	s31 =	simm.s32 $0x2;
	[sflag:s2] =	ssyncpa.u1 $0x1  }
0x4b: {  	[sflag:s31] =	ssyncpa.u1 $0x1  }
0x4c: {  	p0 =	sne.s32 s1, $0x0;
	_ =	strace $0x9000004A  }
0x4d: {  	s0 =	sadd.s32 @!p0 $0x100000, s0;
	[bflag:$0x2] =	sbarrier.arrive $0xFFFF  }
0x4e: {  	[sflag:s0] =	ssyncadd.tile.s32 @!p0 $0x1;
	_ =	shalt  }
.Lfunc_end1:
_tile_overlayer_lowered:
.L_overlay_start_2:
0x4f: {  	(tag) =	ssettag $0x2  }
0x50: {  	s0 =	rddreg [dreg:$0x0];
	s2 =	stileid.u32  }
0x51: {  	s1 =	rddreg [dreg:$0x1];
	p0 =	sne.s32 s2, $0x0  }
0x52: {  	s3 =	rddreg [dreg:$0x2];
	[bflag:$0x3] =	sbarrier.arrive $0xFFFF;
	s2 =	simm.s32 @!p0 $0x1C01  }
0x53: {  	[timem:s3], [sflag:s2] =	dma.local @!p0 [hbm:s0], s1  }
0x54: {  	s0 =	simm.s32 @!p0 $0x1  }
0x55: {  	_ =	swait.ge @!p0 [sflag:s0], s1  }
0x56: {  	s1 =	ssub.s32 @!p0 $0x0, s1;
	[sflag:s0] =	ssyncset.done @!p0 $0x0  }
0x57: {  	[sflag:s0] =	ssyncadd.s32 @!p0 s1  }
0x58: {  	[bflag:$0x3] =	sbarrier.arrive $0xFFFF  }
0x59: {  	_ =	shalt  }

</sc_bundles>
